<compile_context>
chip_gen: v7x
topology: tpu7x:2x2x1
jax: 0.10.2.dev20260603
libtpu: 0.0.44.dev20260713+nightly
codegen_flags: <defaults>
</compile_context>

<pallas_src>
import functools

import jax
import jax.numpy as jnp
from jax import lax
from jax.experimental import pallas as pl
from jax.experimental.pallas import tpu as pltpu
from jax.experimental.pallas import tpu_sc as plsc

B, C, H, W = 32, 128, 100, 100
HW = H * W
V = B * HW
N = 65536
NC, NS, L = 2, 16, 16
NW = NC * NS
PER_W = N // NW
CHUNK = 128
NCHUNK = PER_W // CHUNK


def _transpose_body(x_ref, o_ref):
    o_ref[0] = x_ref[0].T


def _build_table(fused_grid):
    fg = fused_grid.reshape(B, C, HW)
    out = pl.pallas_call(
        _transpose_body,
        grid=(B,),
        in_specs=[pl.BlockSpec((1, C, HW), lambda b: (b, 0, 0))],
        out_specs=pl.BlockSpec((1, HW, C), lambda b: (b, 0, 0)),
        out_shape=jax.ShapeDtypeStruct((B, HW, C), jnp.float32),
    )(fg)
    return out.reshape(V, C)


_sc_mesh = plsc.VectorSubcoreMesh(core_axis_name="c", subcore_axis_name="s")


@functools.partial(
    pl.kernel,
    mesh=_sc_mesh,
    out_type=jax.ShapeDtypeStruct((N, C), jnp.float32),
    scratch_types=[
        pltpu.VMEM((PER_W,), jnp.int32),
        pltpu.VMEM((4, CHUNK, C), jnp.float32),
        pltpu.SemaphoreType.DMA,
        pltpu.SemaphoreType.DMA,
        pltpu.SemaphoreType.DMA,
        pltpu.SemaphoreType.DMA,
        pltpu.SemaphoreType.DMA,
        pltpu.SemaphoreType.DMA,
        pltpu.SemaphoreType.DMA,
        pltpu.SemaphoreType.DMA,
    ],
)
def _sc_gather(table_hbm, idx_hbm, out_hbm, idx_v, rows,
               g0s, g1s, g2s, g3s, o0s, o1s, o2s, o3s):
    wid = lax.axis_index("c") * NS + lax.axis_index("s")
    base = wid * PER_W
    pltpu.sync_copy(idx_hbm.at[pl.ds(base, PER_W)], idx_v)
    gsems = (g0s, g1s, g2s, g3s)
    osems = (o0s, o1s, o2s, o3s)

    @pl.loop(0, NCHUNK, step=4)
    def _quad(kk):
        gs = [pltpu.async_copy(
                  table_hbm.at[idx_v.at[pl.ds(kk * CHUNK + p * CHUNK,
                                              CHUNK)]],
                  rows.at[p], gsems[p])
              for p in range(4)]
        os = []
        for p in range(4):
            gs[p].wait()
            os.append(pltpu.async_copy(
                rows.at[p],
                out_hbm.at[pl.ds(base + kk * CHUNK + p * CHUNK, CHUNK)],
                osems[p]))
        for p in range(4):
            os[p].wait()


def _add_body(g_ref, a_ref, o_ref):
    o_ref[...] = g_ref[...] + a_ref[...]


def _tc_add(g, a):
    blk = 4096
    return pl.pallas_call(
        _add_body,
        grid=(N // blk,),
        in_specs=[pl.BlockSpec((blk, C), lambda i: (i, 0)),
                  pl.BlockSpec((blk, C), lambda i: (i, 0))],
        out_specs=pl.BlockSpec((blk, C), lambda i: (i, 0)),
        out_shape=jax.ShapeDtypeStruct((N, C), jnp.float32),
    )(g, a)


def kernel(fused_grid, agent_encodings, fetch_coordinates):
    table = _build_table(fused_grid)
    gathered = _sc_gather(table, fetch_coordinates)
    return _tc_add(gathered, agent_encodings)

# --- scband reference (transcript-rebuilt; emitter-appended) ---
"""Pipeline reference for scband-spatial-fetch-agent-3856880632170 (READ-ONLY COPY).

The authoritative reference and input builder live on the scoring server;
editing this copy changes nothing except your own understanding.
"""

import jax, jax.numpy as jnp
import numpy as np


def setup_inputs(seed: int = 0) -> dict:
    key = jax.random.key(seed)
    k1, k2, k3 = jax.random.split(key, 3)
    fused_grid = jax.random.normal(k1, (32, 128, 100, 100), dtype=jnp.float32)
    agent_encodings = jax.random.normal(k2, (65536, 128), dtype=jnp.float32)
    fetch_coordinates = jax.random.randint(k3, (65536,), 0, 320000, dtype=jnp.int64 if jax.config.jax_enable_x64 else jnp.int32).astype(jnp.int32)
    return {
        "fused_grid": fused_grid,
        "agent_encodings": agent_encodings,
        "fetch_coordinates": fetch_coordinates,
    }


def reference(fused_grid, agent_encodings, fetch_coordinates):
    batch, channel, map_h, map_w = fused_grid.shape
    fg = jnp.transpose(fused_grid, (0, 2, 3, 1))
    fg = fg.reshape((batch * map_h * map_w, channel))
    fused_encodings = jnp.take(fg, fetch_coordinates, axis=0)
    final_encoding = fused_encodings + agent_encodings
    return final_encoding

if __name__ == "__main__":
    import jax
    _d = setup_inputs()
    print(jax.jit(kernel)(*tuple(_d.values())))

</pallas_src>

<mosaic_0001>
#map = affine_map<(d0, d1) -> (0, 0)>
#map1 = affine_map<(d0, d1) -> (0)>
module attributes {stable_mosaic.version = 14 : i64} {
  func.func @_sc_gather(%arg0: i32, %arg1: i32, %arg2: memref<320000x128xf32, #tpu.memory_space<hbm>>, %arg3: memref<65536xi32, #tpu.memory_space<hbm>>, %arg4: memref<65536x128xf32, #tpu.memory_space<hbm>>, %arg5: memref<2048xi32, #tpu.memory_space<vmem>>, %arg6: memref<4x128x128xf32, #tpu.memory_space<vmem>>, %arg7: memref<!tpu.dma_semaphore, #tpu.memory_space<semaphore_mem>>, %arg8: memref<!tpu.dma_semaphore, #tpu.memory_space<semaphore_mem>>, %arg9: memref<!tpu.dma_semaphore, #tpu.memory_space<semaphore_mem>>, %arg10: memref<!tpu.dma_semaphore, #tpu.memory_space<semaphore_mem>>, %arg11: memref<!tpu.dma_semaphore, #tpu.memory_space<semaphore_mem>>, %arg12: memref<!tpu.dma_semaphore, #tpu.memory_space<semaphore_mem>>, %arg13: memref<!tpu.dma_semaphore, #tpu.memory_space<semaphore_mem>>, %arg14: memref<!tpu.dma_semaphore, #tpu.memory_space<semaphore_mem>>) attributes {dimension_semantics = [#tpu.dimension_semantics<core_parallel>, #tpu.dimension_semantics<subcore_parallel>], iteration_bounds = array<i64: 2, 16>, scalar_prefetch = 0 : i64, scratch_operands = 10 : i64, tpu.core_type = #tpu.core_type<sc_vector_subcore>, window_params = [{transform_indices = #map}, {transform_indices = #map1}, {transform_indices = #map}]} {
    %mul3A = arith.constant 16 : i32
    %mul3A_0 = arith.muli %arg0, %mul3A : i32
    %add3A = arith.addi %mul3A_0, %arg1 : i32
    %mul3A_1 = arith.constant 2048 : i32
    %mul3A_2 = arith.muli %add3A, %mul3A_1 : i32
    "tpu.region"() ({
      %run_scoped3A = tpu.sem_alloc : memref<!tpu.dma_semaphore, #tpu.memory_space<semaphore_mem>>
      %dma_start3A = tpu.memref_slice %arg3[%mul3A_2] : memref<65536xi32, #tpu.memory_space<hbm>> -> memref<2048xi32, #tpu.memory_space<hbm>>
      %dma_start3A_7 = tpu.memref_slice %arg3[%mul3A_2] : memref<65536xi32, #tpu.memory_space<hbm>> -> memref<2048xi32, #tpu.memory_space<hbm>>
      tpu.enqueue_dma source(%dma_start3A_7 : memref<2048xi32, #tpu.memory_space<hbm>>) target(%arg5 : memref<2048xi32, #tpu.memory_space<vmem>>) target_semaphore(%run_scoped3A : memref<!tpu.dma_semaphore, #tpu.memory_space<semaphore_mem>>)
      %dma_wait3A = tpu.memref_slice %arg3[%mul3A_2] : memref<65536xi32, #tpu.memory_space<hbm>> -> memref<2048xi32, #tpu.memory_space<hbm>>
      %dma_wait3A_8 = tpu.memref_slice %arg3[%mul3A_2] : memref<65536xi32, #tpu.memory_space<hbm>> -> memref<2048xi32, #tpu.memory_space<hbm>>
      tpu.wait_dma2 semaphore(%run_scoped3A : memref<!tpu.dma_semaphore, #tpu.memory_space<semaphore_mem>>) src(%dma_wait3A_8 : memref<2048xi32, #tpu.memory_space<hbm>>) dst(%arg5 : memref<2048xi32, #tpu.memory_space<vmem>>)
      tpu.yield
    }) : () -> ()
    %scan3A = arith.constant 0 : i32
    %scan3A_3 = arith.constant 4 : i32
    %scan3A_4 = arith.addi %scan3A, %scan3A_3 : i32
    %scan3A_5 = arith.constant 1 : i32
    scf.for %scan3A_7 = %scan3A to %scan3A_4 step %scan3A_5  : i32 {
      %mul3A_8 = arith.constant 4 : i32
      %mul3A_9 = arith.muli %scan3A_7, %mul3A_8 : i32
      %add3A_10 = arith.constant 0 : i32
      %add3A_11 = arith.addi %add3A_10, %mul3A_9 : i32
      %mul3A_12 = arith.constant 128 : i32
      %mul3A_13 = arith.muli %add3A_11, %mul3A_12 : i32
      %add3A_14 = arith.constant 0 : i32
      %add3A_15 = arith.addi %mul3A_13, %add3A_14 : i32
      %dma_start3A = arith.constant 0 : i32
      %dma_start3A_16 = arith.constant 0 : i32
      %dma_start3A_17 = arith.constant 0 : i32
      %dma_start3A_18 = tpu.memref_slice %arg6[%dma_start3A, %dma_start3A_16, %dma_start3A_17] : memref<4x128x128xf32, #tpu.memory_space<vmem>> -> memref<1x128x128xf32, #tpu.memory_space<vmem>>
      %dma_start3A_19 = tpu.memref_squeeze %dma_start3A_18 : memref<1x128x128xf32, #tpu.memory_space<vmem>> -> memref<128x128xf32, #tpu.memory_space<vmem>>
      %dma_start3A_20 = tpu.memref_slice %arg5[%add3A_15] : memref<2048xi32, #tpu.memory_space<vmem>> -> memref<128xi32, #tpu.memory_space<vmem>>
      %dma_start3A_21 = arith.constant 0 : i32
      %dma_start3A_22 = arith.constant 0 : i32
      %dma_start3A_23 = tpu.memref_slice %arg2[%dma_start3A_21, %dma_start3A_22] : memref<320000x128xf32, #tpu.memory_space<hbm>> -> memref<320000x128xf32, #tpu.memory_space<hbm>>
      tpu.enqueue_indirect_dma source(%dma_start3A_23 : memref<320000x128xf32, #tpu.memory_space<hbm>>) target(%dma_start3A_19 : memref<128x128xf32, #tpu.memory_space<vmem>>) offsets(%dma_start3A_20 : memref<128xi32, #tpu.memory_space<vmem>>) semaphore(%arg7 : memref<!tpu.dma_semaphore, #tpu.memory_space<semaphore_mem>>)
      %mul3A_24 = arith.constant 128 : i32
      %mul3A_25 = arith.muli %add3A_11, %mul3A_24 : i32
      %add3A_26 = arith.constant 128 : i32
      %add3A_27 = arith.addi %mul3A_25, %add3A_26 : i32
      %dma_start3A_28 = arith.constant 1 : i32
      %dma_start3A_29 = arith.constant 0 : i32
      %dma_start3A_30 = arith.constant 0 : i32
      %dma_start3A_31 = tpu.memref_slice %arg6[%dma_start3A_28, %dma_start3A_29, %dma_start3A_30] : memref<4x128x128xf32, #tpu.memory_space<vmem>> -> memref<1x128x128xf32, #tpu.memory_space<vmem>>
      %dma_start3A_32 = tpu.memref_squeeze %dma_start3A_31 : memref<1x128x128xf32, #tpu.memory_space<vmem>> -> memref<128x128xf32, #tpu.memory_space<vmem>>
      %dma_start3A_33 = tpu.memref_slice %arg5[%add3A_27] : memref<2048xi32, #tpu.memory_space<vmem>> -> memref<128xi32, #tpu.memory_space<vmem>>
      %dma_start3A_34 = arith.constant 0 : i32
      %dma_start3A_35 = arith.constant 0 : i32
      %dma_start3A_36 = tpu.memref_slice %arg2[%dma_start3A_34, %dma_start3A_35] : memref<320000x128xf32, #tpu.memory_space<hbm>> -> memref<320000x128xf32, #tpu.memory_space<hbm>>
      tpu.enqueue_indirect_dma source(%dma_start3A_36 : memref<320000x128xf32, #tpu.memory_space<hbm>>) target(%dma_start3A_32 : memref<128x128xf32, #tpu.memory_space<vmem>>) offsets(%dma_start3A_33 : memref<128xi32, #tpu.memory_space<vmem>>) semaphore(%arg8 : memref<!tpu.dma_semaphore, #tpu.memory_space<semaphore_mem>>)
      %mul3A_37 = arith.constant 128 : i32
      %mul3A_38 = arith.muli %add3A_11, %mul3A_37 : i32
      %add3A_39 = arith.constant 256 : i32
      %add3A_40 = arith.addi %mul3A_38, %add3A_39 : i32
      %dma_start3A_41 = arith.constant 2 : i32
      %dma_start3A_42 = arith.constant 0 : i32
      %dma_start3A_43 = arith.constant 0 : i32
      %dma_start3A_44 = tpu.memref_slice %arg6[%dma_start3A_41, %dma_start3A_42, %dma_start3A_43] : memref<4x128x128xf32, #tpu.memory_space<vmem>> -> memref<1x128x128xf32, #tpu.memory_space<vmem>>
      %dma_start3A_45 = tpu.memref_squeeze %dma_start3A_44 : memref<1x128x128xf32, #tpu.memory_space<vmem>> -> memref<128x128xf32, #tpu.memory_space<vmem>>
      %dma_start3A_46 = tpu.memref_slice %arg5[%add3A_40] : memref<2048xi32, #tpu.memory_space<vmem>> -> memref<128xi32, #tpu.memory_space<vmem>>
      %dma_start3A_47 = arith.constant 0 : i32
      %dma_start3A_48 = arith.constant 0 : i32
      %dma_start3A_49 = tpu.memref_slice %arg2[%dma_start3A_47, %dma_start3A_48] : memref<320000x128xf32, #tpu.memory_space<hbm>> -> memref<320000x128xf32, #tpu.memory_space<hbm>>
      tpu.enqueue_indirect_dma source(%dma_start3A_49 : memref<320000x128xf32, #tpu.memory_space<hbm>>) target(%dma_start3A_45 : memref<128x128xf32, #tpu.memory_space<vmem>>) offsets(%dma_start3A_46 : memref<128xi32, #tpu.memory_space<vmem>>) semaphore(%arg9 : memref<!tpu.dma_semaphore, #tpu.memory_space<semaphore_mem>>)
      %mul3A_50 = arith.constant 128 : i32
      %mul3A_51 = arith.muli %add3A_11, %mul3A_50 : i32
      %add3A_52 = arith.constant 384 : i32
      %add3A_53 = arith.addi %mul3A_51, %add3A_52 : i32
      %dma_start3A_54 = arith.constant 3 : i32
      %dma_start3A_55 = arith.constant 0 : i32
      %dma_start3A_56 = arith.constant 0 : i32
      %dma_start3A_57 = tpu.memref_slice %arg6[%dma_start3A_54, %dma_start3A_55, %dma_start3A_56] : memref<4x128x128xf32, #tpu.memory_space<vmem>> -> memref<1x128x128xf32, #tpu.memory_space<vmem>>
      %dma_start3A_58 = tpu.memref_squeeze %dma_start3A_57 : memref<1x128x128xf32, #tpu.memory_space<vmem>> -> memref<128x128xf32, #tpu.memory_space<vmem>>
      %dma_start3A_59 = tpu.memref_slice %arg5[%add3A_53] : memref<2048xi32, #tpu.memory_space<vmem>> -> memref<128xi32, #tpu.memory_space<vmem>>
      %dma_start3A_60 = arith.constant 0 : i32
      %dma_start3A_61 = arith.constant 0 : i32
      %dma_start3A_62 = tpu.memref_slice %arg2[%dma_start3A_60, %dma_start3A_61] : memref<320000x128xf32, #tpu.memory_space<hbm>> -> memref<320000x128xf32, #tpu.memory_space<hbm>>
      tpu.enqueue_indirect_dma source(%dma_start3A_62 : memref<320000x128xf32, #tpu.memory_space<hbm>>) target(%dma_start3A_58 : memref<128x128xf32, #tpu.memory_space<vmem>>) offsets(%dma_start3A_59 : memref<128xi32, #tpu.memory_space<vmem>>) semaphore(%arg10 : memref<!tpu.dma_semaphore, #tpu.memory_space<semaphore_mem>>)
      %dma_wait3A = arith.constant 0 : i32
      %dma_wait3A_63 = arith.constant 0 : i32
      %dma_wait3A_64 = arith.constant 0 : i32
      %dma_wait3A_65 = tpu.memref_slice %arg6[%dma_wait3A, %dma_wait3A_63, %dma_wait3A_64] : memref<4x128x128xf32, #tpu.memory_space<vmem>> -> memref<1x128x128xf32, #tpu.memory_space<vmem>>
      %dma_wait3A_66 = tpu.memref_squeeze %dma_wait3A_65 : memref<1x128x128xf32, #tpu.memory_space<vmem>> -> memref<128x128xf32, #tpu.memory_space<vmem>>
      %dma_wait3A_67 = tpu.memref_slice %arg5[%add3A_15] : memref<2048xi32, #tpu.memory_space<vmem>> -> memref<128xi32, #tpu.memory_space<vmem>>
      %dma_wait3A_68 = arith.constant 0 : i32
      %dma_wait3A_69 = arith.constant 0 : i32
      %dma_wait3A_70 = tpu.memref_slice %arg2[%dma_wait3A_68, %dma_wait3A_69] : memref<320000x128xf32, #tpu.memory_space<hbm>> -> memref<320000x128xf32, #tpu.memory_space<hbm>>
      tpu.wait_indirect_dma semaphore(%arg7 : memref<!tpu.dma_semaphore, #tpu.memory_space<semaphore_mem>>) src(%dma_wait3A_70 : memref<320000x128xf32, #tpu.memory_space<hbm>>) dst(%dma_wait3A_66 : memref<128x128xf32, #tpu.memory_space<vmem>>)
      %mul3A_71 = arith.constant 128 : i32
      %mul3A_72 = arith.muli %add3A_11, %mul3A_71 : i32
      %add3A_73 = arith.addi %mul3A_2, %mul3A_72 : i32
      %add3A_74 = arith.constant 0 : i32
      %add3A_75 = arith.addi %add3A_73, %add3A_74 : i32
      %dma_start3A_76 = arith.constant 0 : i32
      %dma_start3A_77 = arith.constant 0 : i32
      %dma_start3A_78 = arith.constant 0 : i32
      %dma_start3A_79 = tpu.memref_slice %arg6[%dma_start3A_76, %dma_start3A_77, %dma_start3A_78] : memref<4x128x128xf32, #tpu.memory_space<vmem>> -> memref<1x128x128xf32, #tpu.memory_space<vmem>>
      %dma_start3A_80 = tpu.memref_squeeze %dma_start3A_79 : memref<1x128x128xf32, #tpu.memory_space<vmem>> -> memref<128x128xf32, #tpu.memory_space<vmem>>
      %dma_start3A_81 = arith.constant 0 : i32
      %dma_start3A_82 = tpu.memref_slice %arg4[%add3A_75, %dma_start3A_81] : memref<65536x128xf32, #tpu.memory_space<hbm>> -> memref<128x128xf32, #tpu.memory_space<hbm>>
      %dma_start3A_83 = arith.constant 0 : i32
      %dma_start3A_84 = tpu.memref_slice %arg4[%add3A_75, %dma_start3A_83] : memref<65536x128xf32, #tpu.memory_space<hbm>> -> memref<128x128xf32, #tpu.memory_space<hbm>>
      %dma_start3A_85 = arith.constant 0 : i32
      %dma_start3A_86 = arith.constant 0 : i32
      %dma_start3A_87 = tpu.memref_slice %arg6[%dma_start3A_76, %dma_start3A_85, %dma_start3A_86] : memref<4x128x128xf32, #tpu.memory_space<vmem>> -> memref<1x128x128xf32, #tpu.memory_space<vmem>>
      %dma_start3A_88 = tpu.memref_squeeze %dma_start3A_87 : memref<1x128x128xf32, #tpu.memory_space<vmem>> -> memref<128x128xf32, #tpu.memory_space<vmem>>
      tpu.enqueue_dma source(%dma_start3A_88 : memref<128x128xf32, #tpu.memory_space<vmem>>) target(%dma_start3A_84 : memref<128x128xf32, #tpu.memory_space<hbm>>) target_semaphore(%arg11 : memref<!tpu.dma_semaphore, #tpu.memory_space<semaphore_mem>>)
      %dma_wait3A_89 = arith.constant 1 : i32
      %dma_wait3A_90 = arith.constant 0 : i32
      %dma_wait3A_91 = arith.constant 0 : i32
      %dma_wait3A_92 = tpu.memref_slice %arg6[%dma_wait3A_89, %dma_wait3A_90, %dma_wait3A_91] : memref<4x128x128xf32, #tpu.memory_space<vmem>> -> memref<1x128x128xf32, #tpu.memory_space<vmem>>
      %dma_wait3A_93 = tpu.memref_squeeze %dma_wait3A_92 : memref<1x128x128xf32, #tpu.memory_space<vmem>> -> memref<128x128xf32, #tpu.memory_space<vmem>>
      %dma_wait3A_94 = tpu.memref_slice %arg5[%add3A_27] : memref<2048xi32, #tpu.memory_space<vmem>> -> memref<128xi32, #tpu.memory_space<vmem>>
      %dma_wait3A_95 = arith.constant 0 : i32
      %dma_wait3A_96 = arith.constant 0 : i32
      %dma_wait3A_97 = tpu.memref_slice %arg2[%dma_wait3A_95, %dma_wait3A_96] : memref<320000x128xf32, #tpu.memory_space<hbm>> -> memref<320000x128xf32, #tpu.memory_space<hbm>>
      tpu.wait_indirect_dma semaphore(%arg8 : memref<!tpu.dma_semaphore, #tpu.memory_space<semaphore_mem>>) src(%dma_wait3A_97 : memref<320000x128xf32, #tpu.memory_space<hbm>>) dst(%dma_wait3A_93 : memref<128x128xf32, #tpu.memory_space<vmem>>)
      %mul3A_98 = arith.constant 128 : i32
      %mul3A_99 = arith.muli %add3A_11, %mul3A_98 : i32
      %add3A_100 = arith.addi %mul3A_2, %mul3A_99 : i32
      %add3A_101 = arith.constant 128 : i32
      %add3A_102 = arith.addi %add3A_100, %add3A_101 : i32
      %dma_start3A_103 = arith.constant 1 : i32
      %dma_start3A_104 = arith.constant 0 : i32
      %dma_start3A_105 = arith.constant 0 : i32
      %dma_start3A_106 = tpu.memref_slice %arg6[%dma_start3A_103, %dma_start3A_104, %dma_start3A_105] : memref<4x128x128xf32, #tpu.memory_space<vmem>> -> memref<1x128x128xf32, #tpu.memory_space<vmem>>
      %dma_start3A_107 = tpu.memref_squeeze %dma_start3A_106 : memref<1x128x128xf32, #tpu.memory_space<vmem>> -> memref<128x128xf32, #tpu.memory_space<vmem>>
      %dma_start3A_108 = arith.constant 0 : i32
      %dma_start3A_109 = tpu.memref_slice %arg4[%add3A_102, %dma_start3A_108] : memref<65536x128xf32, #tpu.memory_space<hbm>> -> memref<128x128xf32, #tpu.memory_space<hbm>>
      %dma_start3A_110 = arith.constant 0 : i32
      %dma_start3A_111 = tpu.memref_slice %arg4[%add3A_102, %dma_start3A_110] : memref<65536x128xf32, #tpu.memory_space<hbm>> -> memref<128x128xf32, #tpu.memory_space<hbm>>
      %dma_start3A_112 = arith.constant 0 : i32
      %dma_start3A_113 = arith.constant 0 : i32
      %dma_start3A_114 = tpu.memref_slice %arg6[%dma_start3A_103, %dma_start3A_112, %dma_start3A_113] : memref<4x128x128xf32, #tpu.memory_space<vmem>> -> memref<1x128x128xf32, #tpu.memory_space<vmem>>
      %dma_start3A_115 = tpu.memref_squeeze %dma_start3A_114 : memref<1x128x128xf32, #tpu.memory_space<vmem>> -> memref<128x128xf32, #tpu.memory_space<vmem>>
      tpu.enqueue_dma source(%dma_start3A_115 : memref<128x128xf32, #tpu.memory_space<vmem>>) target(%dma_start3A_111 : memref<128x128xf32, #tpu.memory_space<hbm>>) target_semaphore(%arg12 : memref<!tpu.dma_semaphore, #tpu.memory_space<semaphore_mem>>)
      %dma_wait3A_116 = arith.constant 2 : i32
      %dma_wait3A_117 = arith.constant 0 : i32
      %dma_wait3A_118 = arith.constant 0 : i32
      %dma_wait3A_119 = tpu.memref_slice %arg6[%dma_wait3A_116, %dma_wait3A_117, %dma_wait3A_118] : memref<4x128x128xf32, #tpu.memory_space<vmem>> -> memref<1x128x128xf32, #tpu.memory_space<vmem>>
      %dma_wait3A_120 = tpu.memref_squeeze %dma_wait3A_119 : memref<1x128x128xf32, #tpu.memory_space<vmem>> -> memref<128x128xf32, #tpu.memory_space<vmem>>
      %dma_wait3A_121 = tpu.memref_slice %arg5[%add3A_40] : memref<2048xi32, #tpu.memory_space<vmem>> -> memref<128xi32, #tpu.memory_space<vmem>>
      %dma_wait3A_122 = arith.constant 0 : i32
      %dma_wait3A_123 = arith.constant 0 : i32
      %dma_wait3A_124 = tpu.memref_slice %arg2[%dma_wait3A_122, %dma_wait3A_123] : memref<320000x128xf32, #tpu.memory_space<hbm>> -> memref<320000x128xf32, #tpu.memory_space<hbm>>
      tpu.wait_indirect_dma semaphore(%arg9 : memref<!tpu.dma_semaphore, #tpu.memory_space<semaphore_mem>>) src(%dma_wait3A_124 : memref<320000x128xf32, #tpu.memory_space<hbm>>) dst(%dma_wait3A_120 : memref<128x128xf32, #tpu.memory_space<vmem>>)
      %mul3A_125 = arith.constant 128 : i32
      %mul3A_126 = arith.muli %add3A_11, %mul3A_125 : i32
      %add3A_127 = arith.addi %mul3A_2, %mul3A_126 : i32
      %add3A_128 = arith.constant 256 : i32
      %add3A_129 = arith.addi %add3A_127, %add3A_128 : i32
      %dma_start3A_130 = arith.constant 2 : i32
      %dma_start3A_131 = arith.constant 0 : i32
      %dma_start3A_132 = arith.constant 0 : i32
      %dma_start3A_133 = tpu.memref_slice %arg6[%dma_start3A_130, %dma_start3A_131, %dma_start3A_132] : memref<4x128x128xf32, #tpu.memory_space<vmem>> -> memref<1x128x128xf32, #tpu.memory_space<vmem>>
      %dma_start3A_134 = tpu.memref_squeeze %dma_start3A_133 : memref<1x128x128xf32, #tpu.memory_space<vmem>> -> memref<128x128xf32, #tpu.memory_space<vmem>>
      %dma_start3A_135 = arith.constant 0 : i32
      %dma_start3A_136 = tpu.memref_slice %arg4[%add3A_129, %dma_start3A_135] : memref<65536x128xf32, #tpu.memory_space<hbm>> -> memref<128x128xf32, #tpu.memory_space<hbm>>
      %dma_start3A_137 = arith.constant 0 : i32
      %dma_start3A_138 = tpu.memref_slice %arg4[%add3A_129, %dma_start3A_137] : memref<65536x128xf32, #tpu.memory_space<hbm>> -> memref<128x128xf32, #tpu.memory_space<hbm>>
      %dma_start3A_139 = arith.constant 0 : i32
      %dma_start3A_140 = arith.constant 0 : i32
      %dma_start3A_141 = tpu.memref_slice %arg6[%dma_start3A_130, %dma_start3A_139, %dma_start3A_140] : memref<4x128x128xf32, #tpu.memory_space<vmem>> -> memref<1x128x128xf32, #tpu.memory_space<vmem>>
      %dma_start3A_142 = tpu.memref_squeeze %dma_start3A_141 : memref<1x128x128xf32, #tpu.memory_space<vmem>> -> memref<128x128xf32, #tpu.memory_space<vmem>>
      tpu.enqueue_dma source(%dma_start3A_142 : memref<128x128xf32, #tpu.memory_space<vmem>>) target(%dma_start3A_138 : memref<128x128xf32, #tpu.memory_space<hbm>>) target_semaphore(%arg13 : memref<!tpu.dma_semaphore, #tpu.memory_space<semaphore_mem>>)
      %dma_wait3A_143 = arith.constant 3 : i32
      %dma_wait3A_144 = arith.constant 0 : i32
      %dma_wait3A_145 = arith.constant 0 : i32
      %dma_wait3A_146 = tpu.memref_slice %arg6[%dma_wait3A_143, %dma_wait3A_144, %dma_wait3A_145] : memref<4x128x128xf32, #tpu.memory_space<vmem>> -> memref<1x128x128xf32, #tpu.memory_space<vmem>>
      %dma_wait3A_147 = tpu.memref_squeeze %dma_wait3A_146 : memref<1x128x128xf32, #tpu.memory_space<vmem>> -> memref<128x128xf32, #tpu.memory_space<vmem>>
      %dma_wait3A_148 = tpu.memref_slice %arg5[%add3A_53] : memref<2048xi32, #tpu.memory_space<vmem>> -> memref<128xi32, #tpu.memory_space<vmem>>
      %dma_wait3A_149 = arith.constant 0 : i32
      %dma_wait3A_150 = arith.constant 0 : i32
      %dma_wait3A_151 = tpu.memref_slice %arg2[%dma_wait3A_149, %dma_wait3A_150] : memref<320000x128xf32, #tpu.memory_space<hbm>> -> memref<320000x128xf32, #tpu.memory_space<hbm>>
      tpu.wait_indirect_dma semaphore(%arg10 : memref<!tpu.dma_semaphore, #tpu.memory_space<semaphore_mem>>) src(%dma_wait3A_151 : memref<320000x128xf32, #tpu.memory_space<hbm>>) dst(%dma_wait3A_147 : memref<128x128xf32, #tpu.memory_space<vmem>>)
      %mul3A_152 = arith.constant 128 : i32
      %mul3A_153 = arith.muli %add3A_11, %mul3A_152 : i32
      %add3A_154 = arith.addi %mul3A_2, %mul3A_153 : i32
      %add3A_155 = arith.constant 384 : i32
      %add3A_156 = arith.addi %add3A_154, %add3A_155 : i32
      %dma_start3A_157 = arith.constant 3 : i32
      %dma_start3A_158 = arith.constant 0 : i32
      %dma_start3A_159 = arith.constant 0 : i32
      %dma_start3A_160 = tpu.memref_slice %arg6[%dma_start3A_157, %dma_start3A_158, %dma_start3A_159] : memref<4x128x128xf32, #tpu.memory_space<vmem>> -> memref<1x128x128xf32, #tpu.memory_space<vmem>>
      %dma_start3A_161 = tpu.memref_squeeze %dma_start3A_160 : memref<1x128x128xf32, #tpu.memory_space<vmem>> -> memref<128x128xf32, #tpu.memory_space<vmem>>
      %dma_start3A_162 = arith.constant 0 : i32
      %dma_start3A_163 = tpu.memref_slice %arg4[%add3A_156, %dma_start3A_162] : memref<65536x128xf32, #tpu.memory_space<hbm>> -> memref<128x128xf32, #tpu.memory_space<hbm>>
      %dma_start3A_164 = arith.constant 0 : i32
      %dma_start3A_165 = tpu.memref_slice %arg4[%add3A_156, %dma_start3A_164] : memref<65536x128xf32, #tpu.memory_space<hbm>> -> memref<128x128xf32, #tpu.memory_space<hbm>>
      %dma_start3A_166 = arith.constant 0 : i32
      %dma_start3A_167 = arith.constant 0 : i32
      %dma_start3A_168 = tpu.memref_slice %arg6[%dma_start3A_157, %dma_start3A_166, %dma_start3A_167] : memref<4x128x128xf32, #tpu.memory_space<vmem>> -> memref<1x128x128xf32, #tpu.memory_space<vmem>>
      %dma_start3A_169 = tpu.memref_squeeze %dma_start3A_168 : memref<1x128x128xf32, #tpu.memory_space<vmem>> -> memref<128x128xf32, #tpu.memory_space<vmem>>
      tpu.enqueue_dma source(%dma_start3A_169 : memref<128x128xf32, #tpu.memory_space<vmem>>) target(%dma_start3A_165 : memref<128x128xf32, #tpu.memory_space<hbm>>) target_semaphore(%arg14 : memref<!tpu.dma_semaphore, #tpu.memory_space<semaphore_mem>>)
      %dma_wait3A_170 = arith.constant 0 : i32
      %dma_wait3A_171 = arith.constant 0 : i32
      %dma_wait3A_172 = arith.constant 0 : i32
      %dma_wait3A_173 = tpu.memref_slice %arg6[%dma_wait3A_170, %dma_wait3A_171, %dma_wait3A_172] : memref<4x128x128xf32, #tpu.memory_space<vmem>> -> memref<1x128x128xf32, #tpu.memory_space<vmem>>
      %dma_wait3A_174 = tpu.memref_squeeze %dma_wait3A_173 : memref<1x128x128xf32, #tpu.memory_space<vmem>> -> memref<128x128xf32, #tpu.memory_space<vmem>>
      %dma_wait3A_175 = arith.constant 0 : i32
      %dma_wait3A_176 = tpu.memref_slice %arg4[%add3A_75, %dma_wait3A_175] : memref<65536x128xf32, #tpu.memory_space<hbm>> -> memref<128x128xf32, #tpu.memory_space<hbm>>
      %dma_wait3A_177 = arith.constant 0 : i32
      %dma_wait3A_178 = tpu.memref_slice %arg4[%add3A_75, %dma_wait3A_177] : memref<65536x128xf32, #tpu.memory_space<hbm>> -> memref<128x128xf32, #tpu.memory_space<hbm>>
      %dma_wait3A_179 = arith.constant 0 : i32
      %dma_wait3A_180 = arith.constant 0 : i32
      %dma_wait3A_181 = tpu.memref_slice %arg6[%dma_wait3A_170, %dma_wait3A_179, %dma_wait3A_180] : memref<4x128x128xf32, #tpu.memory_space<vmem>> -> memref<1x128x128xf32, #tpu.memory_space<vmem>>
      %dma_wait3A_182 = tpu.memref_squeeze %dma_wait3A_181 : memref<1x128x128xf32, #tpu.memory_space<vmem>> -> memref<128x128xf32, #tpu.memory_space<vmem>>
      tpu.wait_dma2 semaphore(%arg11 : memref<!tpu.dma_semaphore, #tpu.memory_space<semaphore_mem>>) src(%dma_wait3A_182 : memref<128x128xf32, #tpu.memory_space<vmem>>) dst(%dma_wait3A_178 : memref<128x128xf32, #tpu.memory_space<hbm>>)
      %dma_wait3A_183 = arith.constant 1 : i32
      %dma_wait3A_184 = arith.constant 0 : i32
      %dma_wait3A_185 = arith.constant 0 : i32
      %dma_wait3A_186 = tpu.memref_slice %arg6[%dma_wait3A_183, %dma_wait3A_184, %dma_wait3A_185] : memref<4x128x128xf32, #tpu.memory_space<vmem>> -> memref<1x128x128xf32, #tpu.memory_space<vmem>>
      %dma_wait3A_187 = tpu.memref_squeeze %dma_wait3A_186 : memref<1x128x128xf32, #tpu.memory_space<vmem>> -> memref<128x128xf32, #tpu.memory_space<vmem>>
      %dma_wait3A_188 = arith.constant 0 : i32
      %dma_wait3A_189 = tpu.memref_slice %arg4[%add3A_102, %dma_wait3A_188] : memref<65536x128xf32, #tpu.memory_space<hbm>> -> memref<128x128xf32, #tpu.memory_space<hbm>>
      %dma_wait3A_190 = arith.constant 0 : i32
      %dma_wait3A_191 = tpu.memref_slice %arg4[%add3A_102, %dma_wait3A_190] : memref<65536x128xf32, #tpu.memory_space<hbm>> -> memref<128x128xf32, #tpu.memory_space<hbm>>
      %dma_wait3A_192 = arith.constant 0 : i32
      %dma_wait3A_193 = arith.constant 0 : i32
      %dma_wait3A_194 = tpu.memref_slice %arg6[%dma_wait3A_183, %dma_wait3A_192, %dma_wait3A_193] : memref<4x128x128xf32, #tpu.memory_space<vmem>> -> memref<1x128x128xf32, #tpu.memory_space<vmem>>
      %dma_wait3A_195 = tpu.memref_squeeze %dma_wait3A_194 : memref<1x128x128xf32, #tpu.memory_space<vmem>> -> memref<128x128xf32, #tpu.memory_space<vmem>>
      tpu.wait_dma2 semaphore(%arg12 : memref<!tpu.dma_semaphore, #tpu.memory_space<semaphore_mem>>) src(%dma_wait3A_195 : memref<128x128xf32, #tpu.memory_space<vmem>>) dst(%dma_wait3A_191 : memref<128x128xf32, #tpu.memory_space<hbm>>)
      %dma_wait3A_196 = arith.constant 2 : i32
      %dma_wait3A_197 = arith.constant 0 : i32
      %dma_wait3A_198 = arith.constant 0 : i32
      %dma_wait3A_199 = tpu.memref_slice %arg6[%dma_wait3A_196, %dma_wait3A_197, %dma_wait3A_198] : memref<4x128x128xf32, #tpu.memory_space<vmem>> -> memref<1x128x128xf32, #tpu.memory_space<vmem>>
      %dma_wait3A_200 = tpu.memref_squeeze %dma_wait3A_199 : memref<1x128x128xf32, #tpu.memory_space<vmem>> -> memref<128x128xf32, #tpu.memory_space<vmem>>
      %dma_wait3A_201 = arith.constant 0 : i32
      %dma_wait3A_202 = tpu.memref_slice %arg4[%add3A_129, %dma_wait3A_201] : memref<65536x128xf32, #tpu.memory_space<hbm>> -> memref<128x128xf32, #tpu.memory_space<hbm>>
      %dma_wait3A_203 = arith.constant 0 : i32
      %dma_wait3A_204 = tpu.memref_slice %arg4[%add3A_129, %dma_wait3A_203] : memref<65536x128xf32, #tpu.memory_space<hbm>> -> memref<128x128xf32, #tpu.memory_space<hbm>>
      %dma_wait3A_205 = arith.constant 0 : i32
      %dma_wait3A_206 = arith.constant 0 : i32
      %dma_wait3A_207 = tpu.memref_slice %arg6[%dma_wait3A_196, %dma_wait3A_205, %dma_wait3A_206] : memref<4x128x128xf32, #tpu.memory_space<vmem>> -> memref<1x128x128xf32, #tpu.memory_space<vmem>>
      %dma_wait3A_208 = tpu.memref_squeeze %dma_wait3A_207 : memref<1x128x128xf32, #tpu.memory_space<vmem>> -> memref<128x128xf32, #tpu.memory_space<vmem>>
      tpu.wait_dma2 semaphore(%arg13 : memref<!tpu.dma_semaphore, #tpu.memory_space<semaphore_mem>>) src(%dma_wait3A_208 : memref<128x128xf32, #tpu.memory_space<vmem>>) dst(%dma_wait3A_204 : memref<128x128xf32, #tpu.memory_space<hbm>>)
      %dma_wait3A_209 = arith.constant 3 : i32
      %dma_wait3A_210 = arith.constant 0 : i32
      %dma_wait3A_211 = arith.constant 0 : i32
      %dma_wait3A_212 = tpu.memref_slice %arg6[%dma_wait3A_209, %dma_wait3A_210, %dma_wait3A_211] : memref<4x128x128xf32, #tpu.memory_space<vmem>> -> memref<1x128x128xf32, #tpu.memory_space<vmem>>
      %dma_wait3A_213 = tpu.memref_squeeze %dma_wait3A_212 : memref<1x128x128xf32, #tpu.memory_space<vmem>> -> memref<128x128xf32, #tpu.memory_space<vmem>>
      %dma_wait3A_214 = arith.constant 0 : i32
      %dma_wait3A_215 = tpu.memref_slice %arg4[%add3A_156, %dma_wait3A_214] : memref<65536x128xf32, #tpu.memory_space<hbm>> -> memref<128x128xf32, #tpu.memory_space<hbm>>
      %dma_wait3A_216 = arith.constant 0 : i32
      %dma_wait3A_217 = tpu.memref_slice %arg4[%add3A_156, %dma_wait3A_216] : memref<65536x128xf32, #tpu.memory_space<hbm>> -> memref<128x128xf32, #tpu.memory_space<hbm>>
      %dma_wait3A_218 = arith.constant 0 : i32
      %dma_wait3A_219 = arith.constant 0 : i32
      %dma_wait3A_220 = tpu.memref_slice %arg6[%dma_wait3A_209, %dma_wait3A_218, %dma_wait3A_219] : memref<4x128x128xf32, #tpu.memory_space<vmem>> -> memref<1x128x128xf32, #tpu.memory_space<vmem>>
      %dma_wait3A_221 = tpu.memref_squeeze %dma_wait3A_220 : memref<1x128x128xf32, #tpu.memory_space<vmem>> -> memref<128x128xf32, #tpu.memory_space<vmem>>
      tpu.wait_dma2 semaphore(%arg14 : memref<!tpu.dma_semaphore, #tpu.memory_space<semaphore_mem>>) src(%dma_wait3A_221 : memref<128x128xf32, #tpu.memory_space<vmem>>) dst(%dma_wait3A_217 : memref<128x128xf32, #tpu.memory_space<hbm>>)
    }
    %scan3A_6 = arith.constant 4 : i32
    return
  }
}

module attributes {stable_mosaic.version = 14 : i64} {
  func.func @_transpose_body(%arg0: i32, %arg1: memref<1x128x10000xf32, #tpu.memory_space<vmem>>, %arg2: memref<1x10000x128xf32, #tpu.memory_space<vmem>>) attributes {dimension_semantics = [#tpu.dimension_semantics<arbitrary>], iteration_bounds = array<i64: 32>, scalar_prefetch = 0 : i64, scratch_operands = 0 : i64, tpu.core_type = #tpu.core_type<tc>, window_params = [{transform_indices = @transform_0, window_bounds = array<i64: 1, 128, 10000>}, {transform_indices = @transform_1, window_bounds = array<i64: 1, 10000, 128>}]} {
    %get3A = arith.constant 0 : index
    %get3A_0 = arith.constant 0 : index
    %get3A_1 = arith.constant 0 : index
    %get3A_2 = vector.load %arg1[%get3A, %get3A_0, %get3A_1] : memref<1x128x10000xf32, #tpu.memory_space<vmem>>, vector<1x128x10000xf32>
    %get3A_3 = vector.shape_cast %get3A_2 : vector<1x128x10000xf32> to vector<128x10000xf32>
    %transpose3A = tpu.transpose %get3A_3, [1, 0] : vector<128x10000xf32> -> vector<10000x128xf32>
    %swap3A = arith.constant 0 : index
    %swap3A_4 = arith.constant 0 : index
    %swap3A_5 = arith.constant 0 : index
    %swap3A_6 = vector.load %arg2[%swap3A, %swap3A_4, %swap3A_5] : memref<1x10000x128xf32, #tpu.memory_space<vmem>>, vector<1x10000x128xf32>
    %swap3A_7 = vector.shape_cast %swap3A_6 : vector<1x10000x128xf32> to vector<10000x128xf32>
    %swap3A_8 = vector.shape_cast %transpose3A : vector<10000x128xf32> to vector<1x10000x128xf32>
    tpu.vector_store %arg2[%swap3A, %swap3A_4, %swap3A_5], %swap3A_8 {strides = array<i32>} : memref<1x10000x128xf32, #tpu.memory_space<vmem>>, vector<1x10000x128xf32>,
    return
  }
  func.func @transform_0(%arg0: i32) -> (i32, i32, i32) {
    %c0_i32 = arith.constant 0 : i32
    %c0_i32_0 = arith.constant 0 : i32
    %c0_i32_1 = arith.constant 0 : i32
    return %arg0, %c0_i32, %c0_i32_0 : i32, i32, i32
  }
  func.func @transform_1(%arg0: i32) -> (i32, i32, i32) {
    %c0_i32 = arith.constant 0 : i32
    %c0_i32_0 = arith.constant 0 : i32
    %c0_i32_1 = arith.constant 0 : i32
    return %arg0, %c0_i32, %c0_i32_0 : i32, i32, i32
  }
}

module attributes {stable_mosaic.version = 14 : i64} {
  func.func @_add_body(%arg0: i32, %arg1: memref<4096x128xf32, #tpu.memory_space<vmem>>, %arg2: memref<4096x128xf32, #tpu.memory_space<vmem>>, %arg3: memref<4096x128xf32, #tpu.memory_space<vmem>>) attributes {dimension_semantics = [#tpu.dimension_semantics<arbitrary>], iteration_bounds = array<i64: 16>, scalar_prefetch = 0 : i64, scratch_operands = 0 : i64, tpu.core_type = #tpu.core_type<tc>, window_params = [{transform_indices = @transform_0, window_bounds = array<i64: 4096, 128>}, {transform_indices = @transform_1, window_bounds = array<i64: 4096, 128>}, {transform_indices = @transform_2, window_bounds = array<i64: 4096, 128>}]} {
    %get3A = arith.constant 0 : index
    %get3A_0 = arith.constant 0 : index
    %get3A_1 = vector.load %arg1[%get3A, %get3A_0] : memref<4096x128xf32, #tpu.memory_space<vmem>>, vector<4096x128xf32>
    %get3A_2 = arith.constant 0 : index
    %get3A_3 = arith.constant 0 : index
    %get3A_4 = vector.load %arg2[%get3A_2, %get3A_3] : memref<4096x128xf32, #tpu.memory_space<vmem>>, vector<4096x128xf32>
    %add3A = arith.addf %get3A_1, %get3A_4 : vector<4096x128xf32>
    %swap3A = arith.constant 0 : index
    %swap3A_5 = arith.constant 0 : index
    %swap3A_6 = vector.load %arg3[%swap3A, %swap3A_5] : memref<4096x128xf32, #tpu.memory_space<vmem>>, vector<4096x128xf32>
    tpu.vector_store %arg3[%swap3A, %swap3A_5], %add3A {strides = array<i32>} : memref<4096x128xf32, #tpu.memory_space<vmem>>, vector<4096x128xf32>,
    return
  }
  func.func @transform_0(%arg0: i32) -> (i32, i32) {
    %c0_i32 = arith.constant 0 : i32
    %c0_i32_0 = arith.constant 0 : i32
    return %arg0, %c0_i32 : i32, i32
  }
  func.func @transform_1(%arg0: i32) -> (i32, i32) {
    %c0_i32 = arith.constant 0 : i32
    %c0_i32_0 = arith.constant 0 : i32
    return %arg0, %c0_i32 : i32, i32
  }
  func.func @transform_2(%arg0: i32) -> (i32, i32) {
    %c0_i32 = arith.constant 0 : i32
    %c0_i32_0 = arith.constant 0 : i32
    return %arg0, %c0_i32 : i32, i32
  }
}

</mosaic_0001>

<sc_bundles>
// kernel: kernel.5.cloned.1.call-start
scs
__scs_entry_jumppad:
0x0: {  	(pc) =	sbr.rel $0x88, $3  }
0x1: {  	(tag) =	ssettag $0x0;
	lr =	simm.s32 $0x1  }
0x2: {  	[smem:$0x3F9E] =	sst lr;
	_ =	strace $0xD0000000  }
0x3: {  	_ = 	snop  }
0x4: {  	_ = 	snop  }
0x5: {  	_ = 	snop  }
0x6: {  	_ = 	snop  }
0x7: {  	_ = 	snop  }
__scs_overlays_trampoline_lowered:
0x8: {  	[smem:$0x3FAD] =	sst s0  }
0x9: {  	[smem:$0x3FAE] =	sst s1  }
0xa: {  	[smem:$0x3FAF] =	sst s2  }
0xb: {  	[smem:$0x3FB0] =	sst s3  }
0xc: {  	[smem:$0x3FB1] =	sst s4  }
0xd: {  	[smem:$0x3FB2] =	sst s5  }
0xe: {  	[smem:$0x3FB3] =	sst s6  }
0xf: {  	[smem:$0x3FB4] =	sst s7  }
0x10: {  	[smem:$0x3FB5] =	sst s8  }
0x11: {  	[smem:$0x3FB6] =	sst s9;
	s0 =	simm.s32 @!p0 $0x0  }
0x12: {  	s1 =	sld [smem:$0x3F9C];
	s0 =	simm.s32 @p0 $0x1  }
0x13: {  	[smem:$0x3FB7] =	sst s0;
	s0 =	simm.s32 @!p1 $0x0  }
0x14: {  	s2 =	sld [smem:$0x3F9B];
	s0 =	simm.s32 @p1 $0x1  }
0x15: {  	[smem:$0x3FB8] =	sst s0;
	s0 =	simm.s32 @!p2 $0x0  }
0x16: {  	s3 =	sld [smem:$0x3FDB];
	s0 =	simm.s32 @p2 $0x1  }
0x17: {  	s4 =	simm.s32 $0x1BF5;
	[smem:$0x3FBA] =	sst s0  }
0x18: {  	s0 =	sld [smem:$0x3F9D];
	_ =	swait.ge [sflag:s4], $0x0  }
0x19: {  	s7 =	sld [smem:$0x3F9E]  }
0x1a: {  	s8 =	sadd.s32 $0xFFFFE003, lr  }
0x1b: {  	s9 =	sadd.s32 $0xFFFFFEF7, lr;
	s5 =	simm.s32 $0xFFFFFFFF;
	p2 =	slt.u32 s8, $0xFFFFF086  }
0x1c: {  	p1 =	slt.u32 s9, $0xF7A;
	s5 =	simm.s32 @!p2 $0x0  }
0x1d: {  	s5 =	simm.s32 @p1 $0x1;
	p0 =	seq.s32 s7, s2  }
0x1e: {  	s7 =	smul.u32 @!p0 $0xF7A, s2;
	p2 =	seq.s32 @!p0 s5, $0x0  }
0x1f: {  	s9 =	smul.u32 $0xF7A, s1;
	s8 =	simm.s32 @!p0 $0x1BF5;
	p2 =	por !p2, p0  }
0x20: {  	[sflag:s8] =	ssyncset.s32 @!p0 $0xFFFFF086;
	s6 =	sadd.s32 @!p0 s3, s7;
	s7 =	simm.s32 @!p0 $0x108  }
0x21: {  	s3 =	sadd.s32 s3, s9;
	s6 =	sadd.s32 @!p0 $0x88, s6;
	s7 =	simm.s32 @p2 $0x1082  }
0x22: {  	[simem:s7], [sflag:s8] =	dma.local @!p0 [hbm:s6], $0xF7A  }
0x23: {  	s9 =	sor.u32 $0xD0000000, s2;
	s6 =	simm.s32 $0x108;
	_ =	swait.ge @!p0 [sflag:s8], $0x0  }
0x24: {  	s3 =	sadd.s32 $0x88, s3;
	s6 =	simm.s32 @!p1 $0x1082;
	[sflag:s4] =	ssyncset.s32 $0xFFFFF086  }
0x25: {  	[simem:s6], [sflag:s4] =	dma.local [hbm:s3], $0xF7A  }
0x26: {  	[smem:$0x3F9E] =	sst s1;
	(tag) =	ssettag s2;
	_ =	strace s9  }
0x27: {  	s1 =	sld [smem:$0x3FAE]  }
0x28: {  	s2 =	sld [smem:$0x3FAF]  }
0x29: {  	s4 =	sld [smem:$0x3FB1]  }
0x2a: {  	p0 =	seq.s32 s5, $0x0;
	s5 =	sld [smem:$0x3FB2]  }
0x2b: {  	s6 =	sld [smem:$0x3FB3]  }
0x2c: {  	s7 =	sld [smem:$0x3FB4]  }
0x2d: {  	s3 =	simm.s32 $0x108;
	s8 =	sld [smem:$0x3FB5]  }
0x2e: {  	s3 =	simm.s32 @!p0 $0x1082;
	s9 =	sld [smem:$0x3FB6]  }
0x2f: {  	lr =	sadd.s32 s0, s3;
	s0 =	sld [smem:$0x3FAD]  }
0x30: {  	s3 =	sld [smem:$0x3FB0]  }
0x31: {  	[smem:$0x3FB9] =	sst s10  }
0x32: {  	s10 =	sld [smem:$0x3FB7];
	_ =	sdelay $0x3  }
0x33: {  	p0 =	seq.s32 s10, $0x1;
	s10 =	sld [smem:$0x3FB9];
	_ =	sdelay $0x3  }
0x34: {  	[smem:$0x3FB9] =	sst s10  }
0x35: {  	s10 =	sld [smem:$0x3FB8];
	_ =	sdelay $0x3  }
0x36: {  	p1 =	seq.s32 s10, $0x1;
	s10 =	sld [smem:$0x3FB9];
	_ =	sdelay $0x3  }
0x37: {  	[smem:$0x3FB9] =	sst s10  }
0x38: {  	s10 =	sld [smem:$0x3FBA]  }
0x39: {  	_ = 	snop;
	(pc) =	sbr.ind lr, $3  }
0x3a: {  	_ = 	snop  }
0x3b: {  	_ = 	snop  }
0x3c: {  	p2 =	seq.s32 s10, $0x1;
	s10 =	sld [smem:$0x3FB9]  }
0x3d: {  	_ =	shalt  }
0x3e: {  	_ =	shalt  }
0x3f: {  	_ =	shalt  }
0x40: {  	_ =	shalt  }
0x41: {  	_ =	shalt  }
0x42: {  	_ =	shalt  }
0x43: {  	_ =	shalt  }
0x44: {  	_ =	shalt  }
0x45: {  	_ =	shalt  }
0x46: {  	_ =	shalt  }
0x47: {  	_ =	shalt  }
0x48: {  	_ =	shalt  }
0x49: {  	_ =	shalt  }
0x4a: {  	_ =	shalt  }
0x4b: {  	_ =	shalt  }
0x4c: {  	_ =	shalt  }
0x4d: {  	_ =	shalt  }
0x4e: {  	_ =	shalt  }
0x4f: {  	_ =	shalt  }
0x50: {  	_ =	shalt  }
0x51: {  	_ =	shalt  }
0x52: {  	_ =	shalt  }
0x53: {  	_ =	shalt  }
0x54: {  	_ =	shalt  }
0x55: {  	_ =	shalt  }
0x56: {  	_ =	shalt  }
0x57: {  	_ =	shalt  }
0x58: {  	_ =	shalt  }
0x59: {  	_ =	shalt  }
0x5a: {  	_ =	shalt  }
0x5b: {  	_ =	shalt  }
0x5c: {  	_ =	shalt  }
0x5d: {  	_ =	shalt  }
0x5e: {  	_ =	shalt  }
0x5f: {  	_ =	shalt  }
0x60: {  	_ =	shalt  }
0x61: {  	_ =	shalt  }
0x62: {  	_ =	shalt  }
0x63: {  	_ =	shalt  }
0x64: {  	_ =	shalt  }
0x65: {  	_ =	shalt  }
0x66: {  	_ =	shalt  }
0x67: {  	_ =	shalt  }
0x68: {  	_ =	shalt  }
0x69: {  	_ =	shalt  }
0x6a: {  	_ =	shalt  }
0x6b: {  	_ =	shalt  }
0x6c: {  	_ =	shalt  }
0x6d: {  	_ =	shalt  }
0x6e: {  	_ =	shalt  }
0x6f: {  	_ =	shalt  }
0x70: {  	_ =	shalt  }
0x71: {  	_ =	shalt  }
0x72: {  	_ =	shalt  }
0x73: {  	_ =	shalt  }
0x74: {  	_ =	shalt  }
0x75: {  	_ =	shalt  }
0x76: {  	_ =	shalt  }
0x77: {  	_ =	shalt  }
0x78: {  	_ =	shalt  }
0x79: {  	_ =	shalt  }
0x7a: {  	_ =	shalt  }
0x7b: {  	_ =	shalt  }
0x7c: {  	_ =	shalt  }
0x7d: {  	_ =	shalt  }
0x7e: {  	_ =	shalt  }
0x7f: {  	_ =	shalt  }
0x80: {  	_ =	shalt  }
0x81: {  	_ =	shalt  }
0x82: {  	_ =	shalt  }
0x83: {  	_ =	shalt  }
0x84: {  	_ =	shalt  }
0x85: {  	_ =	shalt  }
0x86: {  	_ =	shalt  }
0x87: {  	_ =	shalt  }
.Lfunc_end0:
.L_simem_size_0:
called_computation_lowered:
.L_overlay_start_0:
0x88: {  	s2 =	sld [smem:$0x3FD9]  }
0x89: {  	s3 =	sld [smem:$0x3FFE];
	_ =	sdelay $0x1  }
0x8a: {  	s1 =	srdreg.scid  }
0x8b: {  	s0 =	sand.u32 $0x1, s1  }
0x8c: {  	s17 =	sshll.u32 s0, $0xA;
	s2 =	sadd.s32 s3, s2  }
0x8d: {  	s2 =	sadd.s32 s2, s17  }
0x8e: {  	[smem:$0x3FC5] =	sst s2  }
0x8f: {  	_ = 	snop  }
0x90: {  	s2 =	sld [smem:$0x3FC7];
	(tm) =	ssettm $0x1  }
0x91: {  	s18 =	sld [smem:$0x3FFB];
	_ =	sdelay $0x3  }
0x92: {  	_ =	strace s18  }
0x93: {  	s3 =	sld [smem:$0x3FFC];
	_ =	sdelay $0x3  }
0x94: {  	_ =	strace s3  }
0x95: {  	s3 =	sld [smem:$0x3FFD];
	_ =	sdelay $0x3  }
0x96: {  	_ =	strace s3  }
0x97: {  	_ =	strace $0x8FFFFFFF  }
0x98: {  	s19 =	sld [smem:$0x3FDB];
	_ =	sdelay $0x1  }
0x99: {  	s4 =	simm.s32 $_scs_section_size  }
0x9a: {  	s5 =	simm.s32 $_size__tile_overlayer_lowered;
	s6 =	simm.s32 $_tile_overlayer_lowered  }
0x9b: {  	s22 =	simm.s32 $0x1BFF;
	s21 =	sshll.u32 s6, $0x1;
	s3 =	sadd.s32 s4, s19  }
0x9c: {  	s7 =	simm.s32 $0x0;
	s20 =	sshll.u32 s5, $0x1;
	s5 =	sadd.s32 s21, s3  }
0x9d: {  	[timem:s7], [sflag:s22] =	dma.local [hbm:s5], s20  }
0x9e: {  	_ =	swait.ge [sflag:s22], s20  }
0x9f: {  	s4 =	ssub.s32 $0x0, s20;
	[sflag:s22] =	ssyncset.done $0x0  }
0xa0: {  	[sflag:s22] =	ssyncadd.s32 s4;
	_ =	sdelay $0x1  }
0xa1: {  	s23 =	simm.s32 $0x1B8B  }
0xa2: {  	_ =	swait.ge [sflag:s23], $0x1  }
0xa3: {  	[sflag:s23] =	ssyncset.done $0x0  }
0xa4: {  	s25 =	simm.s32 $0x1B8E;
	s24 =	sld [smem:$0x3FFE];
	[sflag:s23] =	ssyncadd.s32 $0xFFFFFFFF  }
0xa5: {  	s26 =	simm.s32 $execute0_lowered;
	[smem:$0x3FD2] =	sst s25  }
0xa6: {  	s5 =	sshll.u32 s26, $0x1;
	_ =	strace $0x80000046;
	[dreg:$0x1] =	wrdreg $0xFFFFFFFF  }
0xa7: {  	s28 =	simm.s32 $_size_execute0_lowered;
	s3 =	sadd.s32 s3, s5;
	[dreg:$0x0] =	wrdreg $0x0  }
0xa8: {  	s5 =	sshll.u32 s28, $0x1;
	[dreg:$0x2] =	wrdreg s3  }
0xa9: {  	[dreg:$0x3] =	wrdreg s5  }
0xaa: {  	[dreg:$0x4] =	wrdreg $0xC0  }
0xab: {  	_ =	task [dreg:s7], $0x5FFFF  }
0xac: {  	[dreg:$0x1] =	wrdreg $0xFFFFFFFF  }
0xad: {  	[dreg:$0x0] =	wrdreg $0x60  }
0xae: {  	[dreg:$0x2] =	wrdreg s24  }
0xaf: {  	[dreg:$0x3] =	wrdreg s2  }
0xb0: {  	[dreg:$0x4] =	wrdreg $0x9  }
0xb1: {  	_ =	task.clear_ibuf [dreg:s7], $0x5FFFF;
	_ =	strace $0x90000046  }
0xb2: {  	s29 =	simm.s32 $0x9;
	_ =	strace $0x80000048  }
0xb3: {  	_ =	swait.ge [sflag:s29], $0x1  }
0xb4: {  	[sflag:s29] =	ssyncadd.s32 $0xFFFFFFFF  }
0xb5: {  	_ =	strace $0x90000048  }
0xb6: {  	_ =	sfence  }
0xb7: {  	s30 =	sld [smem:$0x0];
	_ =	sdelay $0x2  }
0xb8: {  	s31 =	sshll.u32 s1, $0xD;
	s1 =	sshrl.u32 s1, $0x2  }
0xb9: {  	s3 =	sand.u32 $0x4000, s31;
	s1 =	sadd.s32 s1, s30  }
0xba: {  	s0 =	sor.u32 s3, s0;
	s1 =	sshll.u32 s1, $0x11  }
0xbb: {  	s0 =	sor.u32 s1, s0  }
0xbc: {  	s0 =	sadd.s32 $0x8F2B, s0  }
0xbd: {  	[sflag:s0] =	ssyncadd.remote.s32 $0x1  }
0xbe: {  	_ =	sfence.sel $0xFFFF  }
0xbf: {  	[dreg:$0x0] =	wrdreg $0xFFFFFFFF;
	(pc) =	sbr.abs _section_cstart, $3  }
0xc0: {  	[dreg:$0x1] =	wrdreg $0xFFFFFFFF  }
0xc1: {  	_ =	task.clear_ibuf [dreg:s7], $0x2FFFF;
	_ =	strace $0x9FFFFFFF  }
0xc2: {  	(tm) =	ssettm $0x7FFFFFFF  }
0xc3: {  	_ =	shalt  }
tec
execute0_lowered:
.L_overlay_start_1:
0x0: {  	(tag) =	ssettag $0x1  }
0x1: {  	s2 =	rddreg [dreg:$0x0]  }
0x2: {  	s4 =	rddreg [dreg:$0x1]  }
0x3: {  	s0 =	rddreg [dreg:$0x2]  }
0x4: {  	s1 =	simm.s32 $0x0;
	s3 =	srdreg.scid;
	s10 =	simm.s32 $0x4800  }
0x5: {  	s11 =	simm.s32 $0x8800;
	s12 =	simm.s32 $0xC800;
	s13 =	simm.s32 $0x1  }
0x6: {  	s14 =	simm.s32 $0x2;
	s15 =	simm.s32 $0x3;
	s16 =	simm.s32 $0x4  }
0x7: {  	s17 =	simm.s32 $0x5;
	s18 =	simm.s32 $0x6;
	s19 =	simm.s32 $0x7  }
0x8: {  	s20 =	simm.s32 $0x8;
	s21 =	simm.s32 $0x0;
	[smem:$0x7FF] =	sst s1  }
0x9: {  	s5 =	sand.u32 $0x1, s3;
	s3 =	sadd.s32 $0x4F0400, s2;
	_ =	strace $0x80000047  }
0xa: {  	s6 =	sshll.u32 s5, $0x13;
	s7 =	ssub.s32 $0x2, s5;
	s5 =	sshll.u32 s5, $0xF  }
0xb: {  	s6 =	sadd.s32 s6, s2;
	s2 =	stileid.u32;
	s9 =	sshrl.u32 s7, $0x1  }
0xc: {  	s8 =	sshll.u32 s2, $0xB;
	s31 =	sshll.u32 s2, $0xF;
	s7 =	ssub.s32 s7, s9  }
0xd: {  	s9 =	simm.s32 $0x800;
	s5 =	sor.u32 s8, s5;
	s6 =	sadd.s32 s31, s6  }
0xe: {  	s8 =	simm.s32 $0x80;
	s5 =	sshrl.u32 s5, $0x3;
	s6 =	sadd.s32 $0x400, s6  }
0xf: {  	s4 =	sadd.s32 s4, s5;
	s5 =	smax.u32 s7, $0x1;
	s7 =	simm.s32 $0x9  }
.LBB2_1:
0x10: {  	[tilespmem:s1], [sflag:$0x9] =	stream.linear.gather [hbm4b:s4+s1], $0x800, $0x38;
	[tilespmem:$0x10800] =	vst v63  }
0x11: {  	_ =	swait.ge [sflag:s7], $0x800  }
0x12: {  	[sflag:s7] =	ssyncset.done $0x0  }
0x13: {  	s22 =	simm.s32 $0x0;
	[sflag:s7] =	ssyncadd.s32 $0xFFFFF800  }
0x14: {  	[tilespmem:s9], [sflag:$0x1] =	stream.indirect.gather [hbm4b:s3+s8], $0x80, s22, s8, $0xb8;
	[tilespmem:$0x10800] =	vst v63  }
0x15: {  	s26 =	simm.s32 $0x80  }
0x16: {  	[tilespmem:s10], [sflag:$0x2] =	stream.indirect.gather [hbm4b:s3+s8], $0x80, s26, s8, $0xb8;
	[tilespmem:$0x10800] =	vst v63  }
0x17: {  	s28 =	simm.s32 $0x100  }
0x18: {  	[tilespmem:s11], [sflag:$0x3] =	stream.indirect.gather [hbm4b:s3+s8], $0x80, s28, s8, $0xb8;
	[tilespmem:$0x10800] =	vst v63  }
0x19: {  	s29 =	simm.s32 $0x180  }
0x1a: {  	[tilespmem:s12], [sflag:$0x4] =	stream.indirect.gather [hbm4b:s3+s8], $0x80, s29, s8, $0xb8;
	[tilespmem:$0x10800] =	vst v63  }
0x1b: {  	_ =	swait.ge [sflag:s13], $0x4000  }
0x1c: {  	[sflag:s13] =	ssyncset.done $0x0  }
0x1d: {  	s30 =	sadd.s32 $0x0, s6;
	[sflag:s13] =	ssyncadd.s32 $0xFFFFC000  }
0x1e: {  	[hbm4b:s30+s1] =	stream.linear.scatter [tilespmem:s9], [sflag:$0x5], $0x4000, $0x38;
	[tilespmem:$0x10800] =	vst v63  }
0x1f: {  	_ =	swait.ge [sflag:s14], $0x4000  }
0x20: {  	[sflag:s14] =	ssyncset.done $0x0  }
0x21: {  	s23 =	sadd.s32 $0x800, s30;
	[sflag:s14] =	ssyncadd.s32 $0xFFFFC000  }
0x22: {  	[hbm4b:s23+s1] =	stream.linear.scatter [tilespmem:s10], [sflag:$0x6], $0x4000, $0x38;
	[tilespmem:$0x10800] =	vst v63  }
0x23: {  	_ =	swait.ge [sflag:s15], $0x4000  }
0x24: {  	[sflag:s15] =	ssyncset.done $0x0  }
0x25: {  	s31 =	sadd.s32 $0x1000, s30;
	[sflag:s15] =	ssyncadd.s32 $0xFFFFC000  }
0x26: {  	[hbm4b:s31+s1] =	stream.linear.scatter [tilespmem:s11], [sflag:$0x7], $0x4000, $0x38;
	[tilespmem:$0x10800] =	vst v63  }
0x27: {  	_ =	swait.ge [sflag:s16], $0x4000  }
0x28: {  	[sflag:s16] =	ssyncset.done $0x0  }
0x29: {  	s22 =	sadd.s32 $0x1800, s30;
	[sflag:s16] =	ssyncadd.s32 $0xFFFFC000  }
0x2a: {  	[hbm4b:s22+s1] =	stream.linear.scatter [tilespmem:s12], [sflag:$0x8], $0x4000, $0x38;
	[tilespmem:$0x10800] =	vst v63  }
0x2b: {  	_ =	swait.ge [sflag:s17], $0x4000  }
0x2c: {  	[sflag:s17] =	ssyncset.done $0x0  }
0x2d: {  	[sflag:s17] =	ssyncadd.s32 $0xFFFFC000  }
0x2e: {  	_ =	swait.ge [sflag:s18], $0x4000  }
0x2f: {  	[sflag:s18] =	ssyncset.done $0x0  }
0x30: {  	[sflag:s18] =	ssyncadd.s32 $0xFFFFC000  }
0x31: {  	_ =	swait.ge [sflag:s19], $0x4000  }
0x32: {  	[sflag:s19] =	ssyncset.done $0x0  }
0x33: {  	[sflag:s19] =	ssyncadd.s32 $0xFFFFC000  }
0x34: {  	s24 =	simm.s32 $0x4000;
	_ =	swait.ge [sflag:s20], $0x4000  }
0x35: {  	s23 =	simm.s32 $0x380;
	s22 =	simm.s32 $0x2000;
	[sflag:s20] =	ssyncset.done $0x0  }
.LBB2_2:
0x36: {  	p0 =	sne.s32 s24, $0x6000;
	s25 =	sadd.s32 $0xFFFFFE80, s23;
	[sflag:s20] =	ssyncadd.s32 $0xFFFFC000  }
0x37: {  	[tilespmem:s9], [sflag:$0x1] =	stream.indirect.gather [hbm4b:s3+s8], $0x80, s25, s8, $0xb8;
	[tilespmem:$0x10800] =	vst v63  }
0x38: {  	s26 =	smov.u32 s24;
	s24 =	sadd.s32 $0x2000, s24;
	s25 =	sadd.s32 $0xFFFFFF00, s23  }
0x39: {  	[tilespmem:s10], [sflag:$0x2] =	stream.indirect.gather [hbm4b:s3+s8], $0x80, s25, s8, $0xb8;
	[tilespmem:$0x10800] =	vst v63  }
0x3a: {  	s25 =	sadd.s32 $0xFFFFFF80, s23  }
0x3b: {  	[tilespmem:s11], [sflag:$0x3] =	stream.indirect.gather [hbm4b:s3+s8], $0x80, s25, s8, $0xb8;
	[tilespmem:$0x10800] =	vst v63  }
0x3c: {  	_ = 	snop  }
0x3d: {  	[tilespmem:s12], [sflag:$0x4] =	stream.indirect.gather [hbm4b:s3+s8], $0x80, s23, s8, $0xb8;
	[tilespmem:$0x10800] =	vst v63  }
0x3e: {  	_ =	swait.ge [sflag:s13], $0x4000  }
0x3f: {  	[sflag:s13] =	ssyncset.done $0x0  }
0x40: {  	s25 =	sadd.s32 s22, s6;
	s22 =	smov.u32 s26;
	[sflag:s13] =	ssyncadd.s32 $0xFFFFC000  }
0x41: {  	[hbm4b:s25+s1] =	stream.linear.scatter [tilespmem:s9], [sflag:$0x5], $0x4000, $0x38;
	[tilespmem:$0x10800] =	vst v63  }
0x42: {  	_ =	swait.ge [sflag:s14], $0x4000  }
0x43: {  	[sflag:s14] =	ssyncset.done $0x0  }
0x44: {  	s26 =	sadd.s32 $0x800, s25;
	[sflag:s14] =	ssyncadd.s32 $0xFFFFC000  }
0x45: {  	[hbm4b:s26+s1] =	stream.linear.scatter [tilespmem:s10], [sflag:$0x6], $0x4000, $0x38;
	[tilespmem:$0x10800] =	vst v63  }
0x46: {  	_ =	swait.ge [sflag:s15], $0x4000  }
0x47: {  	[sflag:s15] =	ssyncset.done $0x0  }
0x48: {  	s26 =	sadd.s32 $0x1000, s25;
	[sflag:s15] =	ssyncadd.s32 $0xFFFFC000  }
0x49: {  	[hbm4b:s26+s1] =	stream.linear.scatter [tilespmem:s11], [sflag:$0x7], $0x4000, $0x38;
	[tilespmem:$0x10800] =	vst v63  }
0x4a: {  	_ =	swait.ge [sflag:s16], $0x4000  }
0x4b: {  	[sflag:s16] =	ssyncset.done $0x0  }
0x4c: {  	s25 =	sadd.s32 $0x1800, s25;
	[sflag:s16] =	ssyncadd.s32 $0xFFFFC000  }
0x4d: {  	[hbm4b:s25+s1] =	stream.linear.scatter [tilespmem:s12], [sflag:$0x8], $0x4000, $0x38;
	[tilespmem:$0x10800] =	vst v63  }
0x4e: {  	_ =	swait.ge [sflag:s17], $0x4000  }
0x4f: {  	[sflag:s17] =	ssyncset.done $0x0  }
0x50: {  	[sflag:s17] =	ssyncadd.s32 $0xFFFFC000  }
0x51: {  	_ =	swait.ge [sflag:s18], $0x4000  }
0x52: {  	[sflag:s18] =	ssyncset.done $0x0  }
0x53: {  	[sflag:s18] =	ssyncadd.s32 $0xFFFFC000  }
.Ltmp0:
0x54: {  	_ =	swait.ge [sflag:s19], $0x4000;
	(pc) =	sbr.rel @p0 .LBB2_2-.Ltmp0, $4  }
0x55: {  	[sflag:s19] =	ssyncset.done $0x0  }
0x56: {  	[sflag:s19] =	ssyncadd.s32 $0xFFFFC000  }
0x57: {  	_ =	swait.ge [sflag:s20], $0x4000  }
0x58: {  	s23 =	sadd.s32 $0x200, s23;
	[sflag:s20] =	ssyncset.done $0x0  }
0x59: {  	s24 =	sadd.s32 $0xFFFFFE80, s23;
	[sflag:s20] =	ssyncadd.s32 $0xFFFFC000  }
0x5a: {  	[tilespmem:s9], [sflag:$0x1] =	stream.indirect.gather [hbm4b:s3+s8], $0x80, s24, s8, $0xb8;
	[tilespmem:$0x10800] =	vst v63  }
0x5b: {  	s28 =	sadd.s32 $0xFFFFFF00, s23  }
0x5c: {  	[tilespmem:s10], [sflag:$0x2] =	stream.indirect.gather [hbm4b:s3+s8], $0x80, s28, s8, $0xb8;
	[tilespmem:$0x10800] =	vst v63  }
0x5d: {  	s29 =	sadd.s32 $0xFFFFFF80, s23  }
0x5e: {  	[tilespmem:s11], [sflag:$0x3] =	stream.indirect.gather [hbm4b:s3+s8], $0x80, s29, s8, $0xb8;
	[tilespmem:$0x10800] =	vst v63  }
0x5f: {  	_ = 	snop  }
0x60: {  	[tilespmem:s12], [sflag:$0x4] =	stream.indirect.gather [hbm4b:s3+s8], $0x80, s23, s8, $0xb8;
	[tilespmem:$0x10800] =	vst v63  }
0x61: {  	_ =	swait.ge [sflag:s13], $0x4000  }
0x62: {  	[sflag:s13] =	ssyncset.done $0x0  }
0x63: {  	s22 =	sadd.s32 s22, s6;
	[sflag:s13] =	ssyncadd.s32 $0xFFFFC000  }
0x64: {  	[hbm4b:s22+s1] =	stream.linear.scatter [tilespmem:s9], [sflag:$0x5], $0x4000, $0x38;
	[tilespmem:$0x10800] =	vst v63  }
0x65: {  	_ =	swait.ge [sflag:s14], $0x4000  }
0x66: {  	[sflag:s14] =	ssyncset.done $0x0  }
0x67: {  	s30 =	sadd.s32 $0x800, s22;
	[sflag:s14] =	ssyncadd.s32 $0xFFFFC000  }
0x68: {  	[hbm4b:s30+s1] =	stream.linear.scatter [tilespmem:s10], [sflag:$0x6], $0x4000, $0x38;
	[tilespmem:$0x10800] =	vst v63  }
0x69: {  	_ =	swait.ge [sflag:s15], $0x4000  }
0x6a: {  	[sflag:s15] =	ssyncset.done $0x0  }
0x6b: {  	s31 =	sadd.s32 $0x1000, s22;
	[sflag:s15] =	ssyncadd.s32 $0xFFFFC000  }
0x6c: {  	[hbm4b:s31+s1] =	stream.linear.scatter [tilespmem:s11], [sflag:$0x7], $0x4000, $0x38;
	[tilespmem:$0x10800] =	vst v63  }
0x6d: {  	_ =	swait.ge [sflag:s16], $0x4000  }
0x6e: {  	[sflag:s16] =	ssyncset.done $0x0  }
0x6f: {  	s22 =	sadd.s32 $0x1800, s22;
	[sflag:s16] =	ssyncadd.s32 $0xFFFFC000  }
0x70: {  	[hbm4b:s22+s1] =	stream.linear.scatter [tilespmem:s12], [sflag:$0x8], $0x4000, $0x38;
	[tilespmem:$0x10800] =	vst v63  }
0x71: {  	_ =	swait.ge [sflag:s17], $0x4000  }
0x72: {  	[sflag:s17] =	ssyncset.done $0x0  }
0x73: {  	[sflag:s17] =	ssyncadd.s32 $0xFFFFC000  }
0x74: {  	_ =	swait.ge [sflag:s18], $0x4000  }
0x75: {  	[sflag:s18] =	ssyncset.done $0x0  }
0x76: {  	s21 =	sadd.s32 $0x1, s21;
	[sflag:s18] =	ssyncadd.s32 $0xFFFFC000  }
0x77: {  	p0 =	sne.s32 s21, s5;
	_ =	swait.ge [sflag:s19], $0x4000  }
.Ltmp1:
0x78: {  	[sflag:s19] =	ssyncset.done $0x0;
	(pc) =	sbr.rel @p0 .LBB2_1-.Ltmp1, $4  }
0x79: {  	[sflag:s19] =	ssyncadd.s32 $0xFFFFC000  }
0x7a: {  	_ =	swait.ge [sflag:s20], $0x4000  }
0x7b: {  	[sflag:s20] =	ssyncset.done $0x0  }
0x7c: {  	[sflag:s20] =	ssyncadd.s32 $0xFFFFC000  }
0x7d: {  	_ =	sfence.sel $0x180000  }
0x7e: {  	[bflag:$0x0] =	sbarrier.arrive $0xFFFF  }
0x7f: {  	p0 =	sne.s32 s2, $0x0;
	_ =	strace $0x90000047  }
0x80: {  	s0 =	sadd.s32 @!p0 $0x100000, s0;
	[bflag:$0x2] =	sbarrier.arrive $0xFFFF  }
0x81: {  	[sflag:s0] =	ssyncadd.tile.s32 @!p0 $0x1;
	_ =	shalt  }
.Lfunc_end2:
_tile_overlayer_lowered:
.L_overlay_start_2:
0x82: {  	(tag) =	ssettag $0x2  }
0x83: {  	s0 =	rddreg [dreg:$0x0];
	s2 =	stileid.u32  }
0x84: {  	s1 =	rddreg [dreg:$0x1];
	p0 =	sne.s32 s2, $0x0  }
0x85: {  	s3 =	rddreg [dreg:$0x2];
	[bflag:$0x3] =	sbarrier.arrive $0xFFFF;
	s2 =	simm.s32 @!p0 $0x1C09  }
0x86: {  	[timem:s3], [sflag:s2] =	dma.local @!p0 [hbm:s0], s1  }
0x87: {  	s0 =	simm.s32 @!p0 $0x9  }
0x88: {  	_ =	swait.ge @!p0 [sflag:s0], s1  }
0x89: {  	s1 =	ssub.s32 @!p0 $0x0, s1;
	[sflag:s0] =	ssyncset.done @!p0 $0x0  }
0x8a: {  	[sflag:s0] =	ssyncadd.s32 @!p0 s1  }
0x8b: {  	[bflag:$0x3] =	sbarrier.arrive $0xFFFF  }
0x8c: {  	_ =	shalt  }

</sc_bundles>
